<compile_context>
chip_gen: v7x
topology: tpu7x:2x2x1
jax: 0.10.2.dev20260603
libtpu: 0.0.44.dev20260713+nightly
codegen_flags: <defaults>
</compile_context>

<pallas_src>
import jax
import jax.numpy as jnp
from jax import lax
from jax.experimental import pallas as pl
from jax.experimental.pallas import tpu as pltpu
from jax.experimental.pallas import tpu_sc as plsc

N = 10000
E = 320000
D = 128

NC = 2
NS = 16
NW = NC * NS

EDGES_PER_TILE = E // NW
CHUNK = 80
NCHUNK = EDGES_PER_TILE // CHUNK
N_PAD = 10240
ROWS_PER_TILE = N_PAD // NS
DEGR = N_PAD // D
NBUF = 3
NIDX = 4
UNROLL = 12
MAIN = (NCHUNK - 5) // UNROLL

_MESH = plsc.VectorSubcoreMesh(
    core_axis_name="c", subcore_axis_name="s", num_cores=NC, num_subcores=NS
)


def _sc_aggregate_body(src_hbm, dst_hbm, x_hbm,
                       acc_out, deg_out,
                       srcv, dstv, bufs_v, degp_v, zidx_v,
                       acc_s, deg_s,
                       semg0, semg1, semg2, semi0, semi1, semi2, semi3,
                       semz):
    plsc.subcore_barrier()


def _make_sc_aggregate(interpret=False):
    return pl.kernel(
        _sc_aggregate_body,
        out_type=[
            jax.ShapeDtypeStruct((NC, N_PAD, D), jnp.float32),
            jax.ShapeDtypeStruct((NC, DEGR, D), jnp.float32),
        ],
        mesh=_MESH,
        compiler_params=pltpu.CompilerParams(needs_layout_passes=False),
        scratch_types=[
            pltpu.VMEM((NIDX, CHUNK), jnp.int32),
            pltpu.VMEM((NIDX, CHUNK), jnp.int32),
            pltpu.VMEM((NBUF, CHUNK, D), jnp.float32),
            pltpu.VMEM((DEGR, D), jnp.float32),
            pltpu.VMEM((DEGR,), jnp.int32),
            pltpu.VMEM_SHARED((N_PAD, D), jnp.float32),
            pltpu.VMEM_SHARED((DEGR, D), jnp.float32),
            pltpu.SemaphoreType.DMA,
            pltpu.SemaphoreType.DMA,
            pltpu.SemaphoreType.DMA,
            pltpu.SemaphoreType.DMA,
            pltpu.SemaphoreType.DMA,
            pltpu.SemaphoreType.DMA,
            pltpu.SemaphoreType.DMA,
            pltpu.SemaphoreType.DMA,
        ],
        interpret=interpret,
    )


_sc_aggregate = _make_sc_aggregate()


BLK = 512
GRID = N_PAD // BLK


def _dense_body(x_ref, x2_ref, acc_ref, deg_ref, wrel_t_ref, wroot_t_ref,
                b_ref, out_ref, out2_ref):
    deg = deg_ref[0] + deg_ref[1]
    inv = 1.0 / jnp.maximum(deg, 1.0)
    agg = (acc_ref[0] + acc_ref[1]) * inv
    wrel_t = wrel_t_ref[...]
    wroot_t = wroot_t_ref[...]
    b = b_ref[...]
    out_ref[...] = (
        jnp.dot(x_ref[...], wroot_t, preferred_element_type=jnp.float32)
        + jnp.dot(agg, wrel_t, preferred_element_type=jnp.float32)
        + b
    )
    out2_ref[...] = (
        jnp.dot(x2_ref[...], wroot_t + wrel_t,
                preferred_element_type=jnp.float32)
        + b
    )


_dense = pl.pallas_call(
    _dense_body,
    grid=(GRID,),
    in_specs=[
        pl.BlockSpec((BLK, D), lambda i: (i, 0)),
        pl.BlockSpec((BLK, D), lambda i: (i, 0)),
        pl.BlockSpec((NC, BLK, D), lambda i: (0, i, 0)),
        pl.BlockSpec((NC, BLK, 1), lambda i: (0, i, 0)),
        pl.BlockSpec((D, D), lambda i: (0, 0)),
        pl.BlockSpec((D, D), lambda i: (0, 0)),
        pl.BlockSpec((1, D), lambda i: (0, 0)),
    ],
    out_specs=[
        pl.BlockSpec((BLK, D), lambda i: (i, 0)),
        pl.BlockSpec((BLK, D), lambda i: (i, 0)),
    ],
    out_shape=[
        jax.ShapeDtypeStruct((N, D), jnp.float32),
        jax.ShapeDtypeStruct((N, D), jnp.float32),
    ],
)


def kernel(x, x_, edge_index, W_rel, W_root, b_root):
    src = edge_index[0].reshape(NW * NCHUNK, 1, CHUNK)
    dst = edge_index[1].reshape(NW * NCHUNK, 1, CHUNK)
    acc, deg = _sc_aggregate(src, dst, x)
    deg_col = deg.reshape(NC, N_PAD, 1)
    out, out_ = _dense(x, x_, acc, deg_col, W_rel.T, W_root.T,
                       b_root.reshape(1, D))
    return (out, out_)

# --- scband reference (transcript-rebuilt; emitter-appended) ---
"""Pipeline reference for scband-twin-rgcnconv-34548716929228 (READ-ONLY COPY).

The authoritative reference and input builder live on the scoring server;
editing this copy changes nothing except your own understanding.
"""

import jax, jax.numpy as jnp
import numpy as np

N = 10000
E = 320000
D = 128


def setup_inputs(seed: int = 0) -> dict:
    key = jax.random.key(seed)
    k1, k2, k3, k4, k5, k6 = jax.random.split(key, 6)
    x = jax.random.normal(k1, (N, D), dtype=jnp.float32)
    x_ = jax.random.normal(k2, (N, D), dtype=jnp.float32)
    edge_index = jax.random.randint(k3, (2, E), 0, N, dtype=jnp.int32)
    # torch Linear default init: U(-1/sqrt(fan_in), 1/sqrt(fan_in))
    bound = 1.0 / np.sqrt(D)
    W_rel = jax.random.uniform(k4, (D, D), minval=-bound, maxval=bound, dtype=jnp.float32)
    W_root = jax.random.uniform(k5, (D, D), minval=-bound, maxval=bound, dtype=jnp.float32)
    b_root = jax.random.uniform(k6, (D,), minval=-bound, maxval=bound, dtype=jnp.float32)
    return {"x": x, "x_": x_, "edge_index": edge_index,
            "W_rel": W_rel, "W_root": W_root, "b_root": b_root}


def reference(x, x_, edge_index, W_rel, W_root, b_root):
    n = x.shape[0]
    src = edge_index[0]
    dst = edge_index[1]
    # root_lins: out_dict[key] = root_lin(x); out_dict_[key] = root_lin(x_)
    out = x @ W_root.T + b_root
    out_ = x_ @ W_root.T + b_root
    # adj_t.matmul(x, reduce='mean'): for each dst node, mean of x[src] over incoming edges
    msg = jnp.take(x, src, axis=0)
    summed = jnp.zeros((n, x.shape[1]), dtype=x.dtype).at[dst].add(msg)
    deg = jnp.zeros((n,), dtype=x.dtype).at[dst].add(1.0)
    agg = summed / jnp.clip(deg, 1.0)[:, None]
    # rel_lin applied to aggregated messages (twin branch: rel_lin applied directly to x_)
    out = out + agg @ W_rel.T
    out_ = out_ + x_ @ W_rel.T
    return (out, out_)

if __name__ == "__main__":
    import jax
    _d = setup_inputs()
    print(jax.jit(kernel)(*tuple(_d.values())))

</pallas_src>

<mosaic_0001>
#map = affine_map<(d0, d1) -> (0, 0, 0)>
#map1 = affine_map<(d0, d1) -> (0, 0)>
module attributes {stable_mosaic.version = 14 : i64} {
  func.func @_sc_aggregate_body(%arg0: i32, %arg1: i32, %arg2: memref<4000x1x80xi32, #tpu.memory_space<hbm>>, %arg3: memref<4000x1x80xi32, #tpu.memory_space<hbm>>, %arg4: memref<10000x128xf32, #tpu.memory_space<hbm>>, %arg5: memref<2x10240x128xf32, #tpu.memory_space<hbm>>, %arg6: memref<2x80x128xf32, #tpu.memory_space<hbm>>, %arg7: memref<4x80xi32, #tpu.memory_space<vmem>>, %arg8: memref<4x80xi32, #tpu.memory_space<vmem>>, %arg9: memref<3x80x128xf32, #tpu.memory_space<vmem>>, %arg10: memref<80x128xf32, #tpu.memory_space<vmem>>, %arg11: memref<80xi32, #tpu.memory_space<vmem>>, %arg12: memref<10240x128xf32, #tpu.memory_space<vmem_shared>>, %arg13: memref<80x128xf32, #tpu.memory_space<vmem_shared>>, %arg14: memref<!tpu.dma_semaphore, #tpu.memory_space<semaphore_mem>>, %arg15: memref<!tpu.dma_semaphore, #tpu.memory_space<semaphore_mem>>, %arg16: memref<!tpu.dma_semaphore, #tpu.memory_space<semaphore_mem>>, %arg17: memref<!tpu.dma_semaphore, #tpu.memory_space<semaphore_mem>>, %arg18: memref<!tpu.dma_semaphore, #tpu.memory_space<semaphore_mem>>, %arg19: memref<!tpu.dma_semaphore, #tpu.memory_space<semaphore_mem>>, %arg20: memref<!tpu.dma_semaphore, #tpu.memory_space<semaphore_mem>>, %arg21: memref<!tpu.dma_semaphore, #tpu.memory_space<semaphore_mem>>) attributes {dimension_semantics = [#tpu.dimension_semantics<core_parallel>, #tpu.dimension_semantics<subcore_parallel>], iteration_bounds = array<i64: 2, 16>, scalar_prefetch = 0 : i64, scratch_operands = 15 : i64, tpu.core_type = #tpu.core_type<sc_vector_subcore>, window_params = [{transform_indices = #map}, {transform_indices = #map}, {transform_indices = #map1}, {transform_indices = #map}, {transform_indices = #map}]} {
    %barrier3A = arith.constant 0 : index
    tpu.barrier barrier_id(%barrier3A)
    return
  }
}

module attributes {stable_mosaic.version = 14 : i64} {
  func.func @_dense_body(%arg0: i32, %arg1: memref<512x128xf32, #tpu.memory_space<vmem>>, %arg2: memref<512x128xf32, #tpu.memory_space<vmem>>, %arg3: memref<2x512x128xf32, #tpu.memory_space<vmem>>, %arg4: memref<2x512x1xf32, #tpu.memory_space<vmem>>, %arg5: memref<128x128xf32, #tpu.memory_space<vmem>>, %arg6: memref<128x128xf32, #tpu.memory_space<vmem>>, %arg7: memref<1x128xf32, #tpu.memory_space<vmem>>, %arg8: memref<512x128xf32, #tpu.memory_space<vmem>>, %arg9: memref<512x128xf32, #tpu.memory_space<vmem>>) attributes {dimension_semantics = [#tpu.dimension_semantics<arbitrary>], iteration_bounds = array<i64: 20>, scalar_prefetch = 0 : i64, scratch_operands = 0 : i64, tpu.core_type = #tpu.core_type<tc>, window_params = [{transform_indices = @transform_0, window_bounds = array<i64: 512, 128>}, {transform_indices = @transform_1, window_bounds = array<i64: 512, 128>}, {transform_indices = @transform_2, window_bounds = array<i64: 2, 512, 128>}, {transform_indices = @transform_3, window_bounds = array<i64: 2, 512, 1>}, {pipeline_mode = #tpu.pipeline_mode<synchronous>, transform_indices = @transform_4, window_bounds = array<i64: 128, 128>}, {pipeline_mode = #tpu.pipeline_mode<synchronous>, transform_indices = @transform_5, window_bounds = array<i64: 128, 128>}, {pipeline_mode = #tpu.pipeline_mode<synchronous>, transform_indices = @transform_6, window_bounds = array<i64: 1, 128>}, {transform_indices = @transform_7, window_bounds = array<i64: 512, 128>}, {transform_indices = @transform_8, window_bounds = array<i64: 512, 128>}]} {
    %get3A = arith.constant 0 : index
    %get3A_0 = arith.constant 0 : index
    %get3A_1 = arith.constant 0 : index
    %get3A_2 = vector.load %arg4[%get3A, %get3A_0, %get3A_1] : memref<2x512x1xf32, #tpu.memory_space<vmem>>, vector<1x512x1xf32>
    %get3A_3 = vector.shape_cast %get3A_2 : vector<1x512x1xf32> to vector<512x1xf32>
    %get3A_4 = arith.constant 1 : index
    %get3A_5 = arith.constant 0 : index
    %get3A_6 = arith.constant 0 : index
    %get3A_7 = vector.load %arg4[%get3A_4, %get3A_5, %get3A_6] : memref<2x512x1xf32, #tpu.memory_space<vmem>>, vector<1x512x1xf32>
    %get3A_8 = vector.shape_cast %get3A_7 : vector<1x512x1xf32> to vector<512x1xf32>
    %add3A = arith.addf %get3A_3, %get3A_8 : vector<512x1xf32>
    %max3A = arith.constant 1.000000e+00 : f32
    %max3A_9 = vector.broadcast %max3A : f32 to vector<512x1xf32>
    %max3A_10 = arith.maximumf %add3A, %max3A_9 : vector<512x1xf32>
    %div3A = arith.constant 1.000000e+00 : f32
    %div3A_11 = vector.broadcast %div3A : f32 to vector<512x1xf32>
    %div3A_12 = arith.divf %div3A_11, %max3A_10 : vector<512x1xf32>
    %get3A_13 = arith.constant 0 : index
    %get3A_14 = arith.constant 0 : index
    %get3A_15 = arith.constant 0 : index
    %get3A_16 = vector.load %arg3[%get3A_13, %get3A_14, %get3A_15] : memref<2x512x128xf32, #tpu.memory_space<vmem>>, vector<1x512x128xf32>
    %get3A_17 = vector.shape_cast %get3A_16 : vector<1x512x128xf32> to vector<512x128xf32>
    %get3A_18 = arith.constant 1 : index
    %get3A_19 = arith.constant 0 : index
    %get3A_20 = arith.constant 0 : index
    %get3A_21 = vector.load %arg3[%get3A_18, %get3A_19, %get3A_20] : memref<2x512x128xf32, #tpu.memory_space<vmem>>, vector<1x512x128xf32>
    %get3A_22 = vector.shape_cast %get3A_21 : vector<1x512x128xf32> to vector<512x128xf32>
    %add3A_23 = arith.addf %get3A_17, %get3A_22 : vector<512x128xf32>
    %mul3A = vector.broadcast %div3A_12 : vector<512x1xf32> to vector<512x128xf32>
    %mul3A_24 = arith.mulf %add3A_23, %mul3A : vector<512x128xf32>
    %get3A_25 = arith.constant 0 : index
    %get3A_26 = arith.constant 0 : index
    %get3A_27 = vector.load %arg5[%get3A_25, %get3A_26] : memref<128x128xf32, #tpu.memory_space<vmem>>, vector<128x128xf32>
    %get3A_28 = arith.constant 0 : index
    %get3A_29 = arith.constant 0 : index
    %get3A_30 = vector.load %arg6[%get3A_28, %get3A_29] : memref<128x128xf32, #tpu.memory_space<vmem>>, vector<128x128xf32>
    %get3A_31 = arith.constant 0 : index
    %get3A_32 = arith.constant 0 : index
    %get3A_33 = vector.load %arg7[%get3A_31, %get3A_32] : memref<1x128xf32, #tpu.memory_space<vmem>>, vector<1x128xf32>
    %get3A_34 = arith.constant 0 : index
    %get3A_35 = arith.constant 0 : index
    %get3A_36 = vector.load %arg1[%get3A_34, %get3A_35] : memref<512x128xf32, #tpu.memory_space<vmem>>, vector<512x128xf32>
    %dot_general3A = arith.constant dense<0.000000e+00> : vector<512x128xf32>
    %dot_general3A_37 = tpu.matmul %get3A_36, %get3A_30, %dot_general3A {dimension_numbers = #tpu.dot_dimension_numbers<[1], [0], [0], [1], [0, 0, 1, 1], [], []>, transpose_lhs_hint = false} : vector<512x128xf32>, vector<128x128xf32>, vector<512x128xf32> -> vector<512x128xf32>
    %dot_general3A_38 = arith.constant dense<0.000000e+00> : vector<512x128xf32>
    %dot_general3A_39 = tpu.matmul %mul3A_24, %get3A_27, %dot_general3A_38 {dimension_numbers = #tpu.dot_dimension_numbers<[1], [0], [0], [1], [0, 0, 1, 1], [], []>, transpose_lhs_hint = false} : vector<512x128xf32>, vector<128x128xf32>, vector<512x128xf32> -> vector<512x128xf32>
    %add3A_40 = arith.addf %dot_general3A_37, %dot_general3A_39 : vector<512x128xf32>
    %add3A_41 = vector.broadcast %get3A_33 : vector<1x128xf32> to vector<512x128xf32>
    %add3A_42 = arith.addf %add3A_40, %add3A_41 : vector<512x128xf32>
    %swap3A = arith.constant 0 : index
    %swap3A_43 = arith.constant 0 : index
    %swap3A_44 = vector.load %arg8[%swap3A, %swap3A_43] : memref<512x128xf32, #tpu.memory_space<vmem>>, vector<512x128xf32>
    tpu.vector_store %arg8[%swap3A, %swap3A_43], %add3A_42 {strides = array<i32>} : memref<512x128xf32, #tpu.memory_space<vmem>>, vector<512x128xf32>,
    %get3A_45 = arith.constant 0 : index
    %get3A_46 = arith.constant 0 : index
    %get3A_47 = vector.load %arg2[%get3A_45, %get3A_46] : memref<512x128xf32, #tpu.memory_space<vmem>>, vector<512x128xf32>
    %add3A_48 = arith.addf %get3A_30, %get3A_27 : vector<128x128xf32>
    %dot_general3A_49 = arith.constant dense<0.000000e+00> : vector<512x128xf32>
    %dot_general3A_50 = tpu.matmul %get3A_47, %add3A_48, %dot_general3A_49 {dimension_numbers = #tpu.dot_dimension_numbers<[1], [0], [0], [1], [0, 0, 1, 1], [], []>, transpose_lhs_hint = false} : vector<512x128xf32>, vector<128x128xf32>, vector<512x128xf32> -> vector<512x128xf32>
    %add3A_51 = vector.broadcast %get3A_33 : vector<1x128xf32> to vector<512x128xf32>
    %add3A_52 = arith.addf %dot_general3A_50, %add3A_51 : vector<512x128xf32>
    %swap3A_53 = arith.constant 0 : index
    %swap3A_54 = arith.constant 0 : index
    %swap3A_55 = vector.load %arg9[%swap3A_53, %swap3A_54] : memref<512x128xf32, #tpu.memory_space<vmem>>, vector<512x128xf32>
    tpu.vector_store %arg9[%swap3A_53, %swap3A_54], %add3A_52 {strides = array<i32>} : memref<512x128xf32, #tpu.memory_space<vmem>>, vector<512x128xf32>,
    return
  }
  func.func @transform_0(%arg0: i32) -> (i32, i32) {
    %c0_i32 = arith.constant 0 : i32
    %c0_i32_0 = arith.constant 0 : i32
    return %arg0, %c0_i32 : i32, i32
  }
  func.func @transform_1(%arg0: i32) -> (i32, i32) {
    %c0_i32 = arith.constant 0 : i32
    %c0_i32_0 = arith.constant 0 : i32
    return %arg0, %c0_i32 : i32, i32
  }
  func.func @transform_2(%arg0: i32) -> (i32, i32, i32) {
    %c0_i32 = arith.constant 0 : i32
    %c0_i32_0 = arith.constant 0 : i32
    %c0_i32_1 = arith.constant 0 : i32
    return %c0_i32, %arg0, %c0_i32_0 : i32, i32, i32
  }
  func.func @transform_3(%arg0: i32) -> (i32, i32, i32) {
    %c0_i32 = arith.constant 0 : i32
    %c0_i32_0 = arith.constant 0 : i32
    %c0_i32_1 = arith.constant 0 : i32
    return %c0_i32, %arg0, %c0_i32_0 : i32, i32, i32
  }
  func.func @transform_4(%arg0: i32) -> (i32, i32) {
    %c0_i32 = arith.constant 0 : i32
    %c0_i32_0 = arith.constant 0 : i32
    %c0_i32_1 = arith.constant 0 : i32
    return %c0_i32, %c0_i32_0 : i32, i32
  }
  func.func @transform_5(%arg0: i32) -> (i32, i32) {
    %c0_i32 = arith.constant 0 : i32
    %c0_i32_0 = arith.constant 0 : i32
    %c0_i32_1 = arith.constant 0 : i32
    return %c0_i32, %c0_i32_0 : i32, i32
  }
  func.func @transform_6(%arg0: i32) -> (i32, i32) {
    %c0_i32 = arith.constant 0 : i32
    %c0_i32_0 = arith.constant 0 : i32
    %c0_i32_1 = arith.constant 0 : i32
    return %c0_i32, %c0_i32_0 : i32, i32
  }
  func.func @transform_7(%arg0: i32) -> (i32, i32) {
    %c0_i32 = arith.constant 0 : i32
    %c0_i32_0 = arith.constant 0 : i32
    return %arg0, %c0_i32 : i32, i32
  }
  func.func @transform_8(%arg0: i32) -> (i32, i32) {
    %c0_i32 = arith.constant 0 : i32
    %c0_i32_0 = arith.constant 0 : i32
    return %arg0, %c0_i32 : i32, i32
  }
}

</mosaic_0001>

<sc_bundles>
// kernel: kernel.4.cloned.1.call-start
scs
__scs_entry_jumppad:
0x0: {  	(pc) =	sbr.rel $0x88, $3  }
0x1: {  	(tag) =	ssettag $0x0;
	lr =	simm.s32 $0x1  }
0x2: {  	[smem:$0x3F9B] =	sst lr;
	_ =	strace $0xD0000000  }
0x3: {  	_ = 	snop  }
0x4: {  	_ = 	snop  }
0x5: {  	_ = 	snop  }
0x6: {  	_ = 	snop  }
0x7: {  	_ = 	snop  }
__scs_overlays_trampoline_lowered:
0x8: {  	[smem:$0x3FAA] =	sst s0  }
0x9: {  	[smem:$0x3FAB] =	sst s1  }
0xa: {  	[smem:$0x3FAC] =	sst s2  }
0xb: {  	[smem:$0x3FAD] =	sst s3  }
0xc: {  	[smem:$0x3FAE] =	sst s4  }
0xd: {  	[smem:$0x3FAF] =	sst s5  }
0xe: {  	[smem:$0x3FB0] =	sst s6  }
0xf: {  	[smem:$0x3FB1] =	sst s7  }
0x10: {  	[smem:$0x3FB2] =	sst s8  }
0x11: {  	[smem:$0x3FB3] =	sst s9;
	s0 =	simm.s32 @!p0 $0x0  }
0x12: {  	s1 =	sld [smem:$0x3F99];
	s0 =	simm.s32 @p0 $0x1  }
0x13: {  	[smem:$0x3FB4] =	sst s0;
	s0 =	simm.s32 @!p1 $0x0  }
0x14: {  	s2 =	sld [smem:$0x3F98];
	s0 =	simm.s32 @p1 $0x1  }
0x15: {  	[smem:$0x3FB5] =	sst s0;
	s0 =	simm.s32 @!p2 $0x0  }
0x16: {  	s3 =	sld [smem:$0x3FDB];
	s0 =	simm.s32 @p2 $0x1  }
0x17: {  	s4 =	simm.s32 $0x1BF5;
	[smem:$0x3FB7] =	sst s0  }
0x18: {  	s0 =	sld [smem:$0x3F9A];
	_ =	swait.ge [sflag:s4], $0x0  }
0x19: {  	s7 =	sld [smem:$0x3F9B]  }
0x1a: {  	s8 =	sadd.s32 $0xFFFFE003, lr  }
0x1b: {  	s9 =	sadd.s32 $0xFFFFFEF7, lr;
	s5 =	simm.s32 $0xFFFFFFFF;
	p2 =	slt.u32 s8, $0xFFFFF086  }
0x1c: {  	p1 =	slt.u32 s9, $0xF7A;
	s5 =	simm.s32 @!p2 $0x0  }
0x1d: {  	s5 =	simm.s32 @p1 $0x1;
	p0 =	seq.s32 s7, s2  }
0x1e: {  	s7 =	smul.u32 @!p0 $0xF7A, s2;
	p2 =	seq.s32 @!p0 s5, $0x0  }
0x1f: {  	s9 =	smul.u32 $0xF7A, s1;
	s8 =	simm.s32 @!p0 $0x1BF5;
	p2 =	por !p2, p0  }
0x20: {  	[sflag:s8] =	ssyncset.s32 @!p0 $0xFFFFF086;
	s6 =	sadd.s32 @!p0 s3, s7;
	s7 =	simm.s32 @!p0 $0x108  }
0x21: {  	s3 =	sadd.s32 s3, s9;
	s6 =	sadd.s32 @!p0 $0x88, s6;
	s7 =	simm.s32 @p2 $0x1082  }
0x22: {  	[simem:s7], [sflag:s8] =	dma.local @!p0 [hbm:s6], $0xF7A  }
0x23: {  	s9 =	sor.u32 $0xD0000000, s2;
	s6 =	simm.s32 $0x108;
	_ =	swait.ge @!p0 [sflag:s8], $0x0  }
0x24: {  	s3 =	sadd.s32 $0x88, s3;
	s6 =	simm.s32 @!p1 $0x1082;
	[sflag:s4] =	ssyncset.s32 $0xFFFFF086  }
0x25: {  	[simem:s6], [sflag:s4] =	dma.local [hbm:s3], $0xF7A  }
0x26: {  	[smem:$0x3F9B] =	sst s1;
	(tag) =	ssettag s2;
	_ =	strace s9  }
0x27: {  	s1 =	sld [smem:$0x3FAB]  }
0x28: {  	s2 =	sld [smem:$0x3FAC]  }
0x29: {  	s4 =	sld [smem:$0x3FAE]  }
0x2a: {  	p0 =	seq.s32 s5, $0x0;
	s5 =	sld [smem:$0x3FAF]  }
0x2b: {  	s6 =	sld [smem:$0x3FB0]  }
0x2c: {  	s7 =	sld [smem:$0x3FB1]  }
0x2d: {  	s3 =	simm.s32 $0x108;
	s8 =	sld [smem:$0x3FB2]  }
0x2e: {  	s3 =	simm.s32 @!p0 $0x1082;
	s9 =	sld [smem:$0x3FB3]  }
0x2f: {  	lr =	sadd.s32 s0, s3;
	s0 =	sld [smem:$0x3FAA]  }
0x30: {  	s3 =	sld [smem:$0x3FAD]  }
0x31: {  	[smem:$0x3FB6] =	sst s10  }
0x32: {  	s10 =	sld [smem:$0x3FB4];
	_ =	sdelay $0x3  }
0x33: {  	p0 =	seq.s32 s10, $0x1;
	s10 =	sld [smem:$0x3FB6];
	_ =	sdelay $0x3  }
0x34: {  	[smem:$0x3FB6] =	sst s10  }
0x35: {  	s10 =	sld [smem:$0x3FB5];
	_ =	sdelay $0x3  }
0x36: {  	p1 =	seq.s32 s10, $0x1;
	s10 =	sld [smem:$0x3FB6];
	_ =	sdelay $0x3  }
0x37: {  	[smem:$0x3FB6] =	sst s10  }
0x38: {  	s10 =	sld [smem:$0x3FB7]  }
0x39: {  	_ = 	snop;
	(pc) =	sbr.ind lr, $3  }
0x3a: {  	_ = 	snop  }
0x3b: {  	_ = 	snop  }
0x3c: {  	p2 =	seq.s32 s10, $0x1;
	s10 =	sld [smem:$0x3FB6]  }
0x3d: {  	_ =	shalt  }
0x3e: {  	_ =	shalt  }
0x3f: {  	_ =	shalt  }
0x40: {  	_ =	shalt  }
0x41: {  	_ =	shalt  }
0x42: {  	_ =	shalt  }
0x43: {  	_ =	shalt  }
0x44: {  	_ =	shalt  }
0x45: {  	_ =	shalt  }
0x46: {  	_ =	shalt  }
0x47: {  	_ =	shalt  }
0x48: {  	_ =	shalt  }
0x49: {  	_ =	shalt  }
0x4a: {  	_ =	shalt  }
0x4b: {  	_ =	shalt  }
0x4c: {  	_ =	shalt  }
0x4d: {  	_ =	shalt  }
0x4e: {  	_ =	shalt  }
0x4f: {  	_ =	shalt  }
0x50: {  	_ =	shalt  }
0x51: {  	_ =	shalt  }
0x52: {  	_ =	shalt  }
0x53: {  	_ =	shalt  }
0x54: {  	_ =	shalt  }
0x55: {  	_ =	shalt  }
0x56: {  	_ =	shalt  }
0x57: {  	_ =	shalt  }
0x58: {  	_ =	shalt  }
0x59: {  	_ =	shalt  }
0x5a: {  	_ =	shalt  }
0x5b: {  	_ =	shalt  }
0x5c: {  	_ =	shalt  }
0x5d: {  	_ =	shalt  }
0x5e: {  	_ =	shalt  }
0x5f: {  	_ =	shalt  }
0x60: {  	_ =	shalt  }
0x61: {  	_ =	shalt  }
0x62: {  	_ =	shalt  }
0x63: {  	_ =	shalt  }
0x64: {  	_ =	shalt  }
0x65: {  	_ =	shalt  }
0x66: {  	_ =	shalt  }
0x67: {  	_ =	shalt  }
0x68: {  	_ =	shalt  }
0x69: {  	_ =	shalt  }
0x6a: {  	_ =	shalt  }
0x6b: {  	_ =	shalt  }
0x6c: {  	_ =	shalt  }
0x6d: {  	_ =	shalt  }
0x6e: {  	_ =	shalt  }
0x6f: {  	_ =	shalt  }
0x70: {  	_ =	shalt  }
0x71: {  	_ =	shalt  }
0x72: {  	_ =	shalt  }
0x73: {  	_ =	shalt  }
0x74: {  	_ =	shalt  }
0x75: {  	_ =	shalt  }
0x76: {  	_ =	shalt  }
0x77: {  	_ =	shalt  }
0x78: {  	_ =	shalt  }
0x79: {  	_ =	shalt  }
0x7a: {  	_ =	shalt  }
0x7b: {  	_ =	shalt  }
0x7c: {  	_ =	shalt  }
0x7d: {  	_ =	shalt  }
0x7e: {  	_ =	shalt  }
0x7f: {  	_ =	shalt  }
0x80: {  	_ =	shalt  }
0x81: {  	_ =	shalt  }
0x82: {  	_ =	shalt  }
0x83: {  	_ =	shalt  }
0x84: {  	_ =	shalt  }
0x85: {  	_ =	shalt  }
0x86: {  	_ =	shalt  }
0x87: {  	_ =	shalt  }
.Lfunc_end0:
.L_simem_size_0:
called_computation_lowered:
.L_overlay_start_0:
0x88: {  	s1 =	sld [smem:$0x3FD9]  }
0x89: {  	s2 =	sld [smem:$0x3FFE];
	_ =	sdelay $0x1  }
0x8a: {  	s3 =	srdreg.scid  }
0x8b: {  	s0 =	sand.u32 $0x1, s3  }
0x8c: {  	s17 =	sshll.u32 s0, $0xA;
	s1 =	sadd.s32 s2, s1  }
0x8d: {  	s1 =	sadd.s32 s1, s17  }
0x8e: {  	[smem:$0x3FC2] =	sst s1  }
0x8f: {  	_ = 	snop  }
0x90: {  	(tm) =	ssettm $0x1  }
0x91: {  	s18 =	sld [smem:$0x3FFB];
	_ =	sdelay $0x3  }
0x92: {  	_ =	strace s18  }
0x93: {  	s1 =	sld [smem:$0x3FFC];
	_ =	sdelay $0x3  }
0x94: {  	_ =	strace s1  }
0x95: {  	s1 =	sld [smem:$0x3FFD];
	_ =	sdelay $0x3  }
0x96: {  	_ =	strace s1  }
0x97: {  	_ =	strace $0x8FFFFFFF  }
0x98: {  	s19 =	sld [smem:$0x3FDB];
	_ =	sdelay $0x1  }
0x99: {  	s20 =	simm.s32 $_scs_section_size  }
0x9a: {  	s4 =	simm.s32 $_size__tile_overlayer_lowered;
	s5 =	simm.s32 $_tile_overlayer_lowered  }
0x9b: {  	s23 =	simm.s32 $0x1BFF;
	s22 =	sshll.u32 s5, $0x1;
	s1 =	sadd.s32 s20, s19  }
0x9c: {  	s6 =	simm.s32 $0x0;
	s21 =	sshll.u32 s4, $0x1;
	s4 =	sadd.s32 s22, s1  }
0x9d: {  	[timem:s6], [sflag:s23] =	dma.local [hbm:s4], s21  }
0x9e: {  	_ =	swait.ge [sflag:s23], s21  }
0x9f: {  	s2 =	ssub.s32 $0x0, s21;
	[sflag:s23] =	ssyncset.done $0x0  }
0xa0: {  	[sflag:s23] =	ssyncadd.s32 s2;
	_ =	sdelay $0x1  }
0xa1: {  	s24 =	simm.s32 $0x1B8B  }
0xa2: {  	_ =	swait.ge [sflag:s24], $0x1  }
0xa3: {  	[sflag:s24] =	ssyncset.done $0x0  }
0xa4: {  	s25 =	simm.s32 $0x1B8E;
	[sflag:s24] =	ssyncadd.s32 $0xFFFFFFFF  }
0xa5: {  	s26 =	simm.s32 $execute0_lowered;
	[smem:$0x3FD2] =	sst s25  }
0xa6: {  	s2 =	sshll.u32 s26, $0x1;
	_ =	strace $0x80000046;
	[dreg:$0x1] =	wrdreg $0xFFFFFFFF  }
0xa7: {  	s28 =	simm.s32 $_size_execute0_lowered;
	s1 =	sadd.s32 s1, s2;
	[dreg:$0x0] =	wrdreg $0x0  }
0xa8: {  	s2 =	sshll.u32 s28, $0x1;
	[dreg:$0x2] =	wrdreg s1  }
0xa9: {  	[dreg:$0x3] =	wrdreg s2  }
0xaa: {  	[dreg:$0x4] =	wrdreg $0xC0  }
0xab: {  	_ =	task [dreg:s6], $0x5FFFF  }
0xac: {  	[dreg:$0x1] =	wrdreg $0xFFFFFFFF  }
0xad: {  	[dreg:$0x0] =	wrdreg $0x60  }
0xae: {  	[dreg:$0x2] =	wrdreg $0x9  }
0xaf: {  	_ =	task.clear_ibuf [dreg:s6], $0x3FFFF;
	_ =	strace $0x90000046  }
0xb0: {  	s29 =	simm.s32 $0x9;
	_ =	strace $0x80000048  }
0xb1: {  	_ =	swait.ge [sflag:s29], $0x1  }
0xb2: {  	[sflag:s29] =	ssyncadd.s32 $0xFFFFFFFF  }
0xb3: {  	_ =	strace $0x90000048  }
0xb4: {  	_ =	sfence  }
0xb5: {  	s30 =	sld [smem:$0x0];
	_ =	sdelay $0x2  }
0xb6: {  	s31 =	sshll.u32 s3, $0xD;
	s3 =	sshrl.u32 s3, $0x2  }
0xb7: {  	s2 =	sand.u32 $0x4000, s31;
	s1 =	sadd.s32 s3, s30  }
0xb8: {  	s0 =	sor.u32 s2, s0;
	s1 =	sshll.u32 s1, $0x11  }
0xb9: {  	s0 =	sor.u32 s1, s0  }
0xba: {  	s0 =	sadd.s32 $0x8F2B, s0  }
0xbb: {  	[sflag:s0] =	ssyncadd.remote.s32 $0x1  }
0xbc: {  	_ =	sfence.sel $0xFFFF  }
0xbd: {  	[dreg:$0x0] =	wrdreg $0xFFFFFFFF;
	(pc) =	sbr.abs _section_cstart, $3  }
0xbe: {  	[dreg:$0x1] =	wrdreg $0xFFFFFFFF  }
0xbf: {  	_ =	task.clear_ibuf [dreg:s6], $0x2FFFF;
	_ =	strace $0x9FFFFFFF  }
0xc0: {  	(tm) =	ssettm $0x7FFFFFFF  }
0xc1: {  	_ =	shalt  }
tec
execute0_lowered:
.L_overlay_start_1:
0x0: {  	(tag) =	ssettag $0x1  }
0x1: {  	s0 =	srdreg.scid  }
0x2: {  	s0 =	sand.u32 $0x1, s0  }
0x3: {  	s0 =	ssub.s32 $0x2, s0  }
0x4: {  	s1 =	sshrl.u32 s0, $0x1  }
0x5: {  	s0 =	ssub.s32 s0, s1  }
0x6: {  	s2 =	smax.u32 s0, $0x1  }
0x7: {  	p0 =	sne.s32 s2, $0x1  }
.Ltmp0:
0x8: {  	_ = 	snop;
	(pc) =	sbr.rel @!p0 .LBB2_2-.Ltmp0, $3  }
0x9: {  	_ =	sdelay $0x1  }
0xa: {  	s1 =	stileid.u32  }
0xb: {  	s0 =	rddreg [dreg:$0x0];
	_ =	strace $0x80000047;
	s2 =	sadd.s32 $0xFFFFFFFF, s2  }
.LBB2_1:
0xc: {  	p0 =	sne.s32 s2, $0x1  }
.Ltmp1:
0xd: {  	_ = 	snop;
	(pc) =	sbr.rel @p0 .LBB2_1-.Ltmp1, $3  }
0xe: {  	_ =	sdelay $0x1  }
0xf: {  	[bflag:$0x0] =	sbarrier.arrive $0xFFFF  }
0x10: {  	s2 =	sadd.s32 $0xFFFFFFFF, s2  }
.LBB2_2:
0x11: {  	[bflag:$0x0] =	sbarrier.arrive $0xFFFF  }
0x12: {  	_ =	sfence.sel $0x180000  }
0x13: {  	[bflag:$0x0] =	sbarrier.arrive $0xFFFF  }
0x14: {  	p0 =	sne.s32 s1, $0x0;
	_ =	strace $0x90000047  }
0x15: {  	s0 =	sadd.s32 @!p0 $0x100000, s0;
	[bflag:$0x2] =	sbarrier.arrive $0xFFFF  }
0x16: {  	[sflag:s0] =	ssyncadd.tile.s32 @!p0 $0x1;
	_ =	shalt  }
.Lfunc_end2:
_tile_overlayer_lowered:
.L_overlay_start_2:
0x17: {  	(tag) =	ssettag $0x2  }
0x18: {  	s0 =	rddreg [dreg:$0x0];
	s2 =	stileid.u32  }
0x19: {  	s1 =	rddreg [dreg:$0x1];
	p0 =	sne.s32 s2, $0x0  }
0x1a: {  	s3 =	rddreg [dreg:$0x2];
	[bflag:$0x3] =	sbarrier.arrive $0xFFFF;
	s2 =	simm.s32 @!p0 $0x1C01  }
0x1b: {  	[timem:s3], [sflag:s2] =	dma.local @!p0 [hbm:s0], s1  }
0x1c: {  	s0 =	simm.s32 @!p0 $0x1  }
0x1d: {  	_ =	swait.ge @!p0 [sflag:s0], s1  }
0x1e: {  	s1 =	ssub.s32 @!p0 $0x0, s1;
	[sflag:s0] =	ssyncset.done @!p0 $0x0  }
0x1f: {  	[sflag:s0] =	ssyncadd.s32 @!p0 s1  }
0x20: {  	[bflag:$0x3] =	sbarrier.arrive $0xFFFF  }
0x21: {  	_ =	shalt  }

</sc_bundles>
